<compile_context>
chip_gen: v7x
topology: tpu7x:2x2x1
jax: 0.10.2.dev20260603
libtpu: 0.0.44.dev20260713+nightly
codegen_flags: <defaults>
</compile_context>

<pallas_src>
import jax
import jax.numpy as jnp
from jax.experimental import pallas as pl
from jax.experimental.pallas import tpu as pltpu
from jax.experimental.pallas import tpu_sc as plsc

REG = 0.1
ITERS = 3
EPS = 1e-30



def _normalize_features(x):
    return x / (jnp.sum(x, axis=1, keepdims=True) + EPS)


def _bary(P, K, w):
    v = jnp.ones_like(P)
    b = jnp.ones((P.shape[0],), P.dtype) / P.shape[0]
    for _ in range(ITERS):
        Kv = K @ v
        u = P / (Kv + EPS)
        Ktu = K.T @ u
        b = jnp.exp(jnp.sum(w[None, :] * jnp.log(Ktu + EPS), axis=1))
        v = b[:, None] / (Ktu + EPS)
    return b


def _ortho(X):
    Q, R = jnp.linalg.qr(X)
    s = jnp.sign(jnp.diag(R))
    s = jnp.where(s == 0, 1.0, s)
    return Q * s[None, :]


_N_WORKERS = 32
_CHUNK = 200


def _sc_gather(table, indices):
    num_idx = indices.shape[0]
    d = table.shape[1]
    per_w = num_idx // _N_WORKERS
    n_chunks = per_w // _CHUNK
    mesh = plsc.VectorSubcoreMesh(core_axis_name="core", subcore_axis_name="subcore")

    @pl.kernel(
        out_type=jax.ShapeDtypeStruct((num_idx, d), table.dtype),
        mesh=mesh,
        scratch_types=[
            pltpu.VMEM((per_w,), jnp.int32),
            pltpu.VMEM((_CHUNK, d), table.dtype),
            pltpu.VMEM((_CHUNK, d), table.dtype),
            pltpu.SemaphoreType.DMA,
            pltpu.SemaphoreType.DMA,
            pltpu.SemaphoreType.DMA,
            pltpu.SemaphoreType.DMA,
        ],
    )
    def gather_kernel(x_hbm, i_hbm, o_hbm, idx_v, rows0, rows1, gsem0, gsem1, osem0, osem1):
        wid = jax.lax.axis_index("subcore") * 2 + jax.lax.axis_index("core")
        base = wid * per_w
        pltpu.sync_copy(i_hbm.at[pl.ds(base, per_w)], idx_v)
        bufs = (rows0, rows1)
        gsems = (gsem0, gsem1)
        osems = (osem0, osem1)

        def start_gather(g, j):
            pltpu.make_async_copy(
                x_hbm.at[idx_v.at[pl.ds(g * _CHUNK, _CHUNK)]], bufs[j], gsems[j]
            ).start()

        def wait_gather(j):
            pltpu.make_async_copy(
                x_hbm.at[idx_v.at[pl.ds(0, _CHUNK)]], bufs[j], gsems[j]
            ).wait()

        def start_out(g, j):
            pltpu.make_async_copy(
                bufs[j], o_hbm.at[pl.ds(base + g * _CHUNK, _CHUNK)], osems[j]
            ).start()

        def wait_out(j):
            pltpu.make_async_copy(
                bufs[j], o_hbm.at[pl.ds(base, _CHUNK)], osems[j]
            ).wait()

        start_gather(0, 0)
        start_gather(1, 1)

        @pl.loop(2, n_chunks - 1, step=2)
        def _(g):
            for j in range(2):
                wait_gather(j)
                start_out(g + j - 2, j)
                wait_out(j)
                start_gather(g + j, j)

        wait_gather(0)
        start_out(n_chunks - 3, 0)
        wait_out(0)
        start_gather(n_chunks - 1, 0)
        wait_gather(1)
        start_out(n_chunks - 2, 1)
        wait_gather(0)
        start_out(n_chunks - 1, 0)
        wait_out(1)
        wait_out(0)

    return gather_kernel(table, indices)


def kernel(U, costMatrix, neighbors):
    n, d = U.shape
    deg = neighbors.shape[1]
    U_bar = jnp.exp(U)
    U_bar = _normalize_features(U_bar)
    K = jnp.exp(-costMatrix / REG)
    flat_idx = neighbors.astype(jnp.int32).reshape(-1)
    gathered = _sc_gather(U_bar, flat_idx).reshape(n, deg, d)
    P = jnp.transpose(gathered, (0, 2, 1))
    w = jnp.ones((deg,), jnp.float32) / deg
    bary = jax.vmap(lambda p: _bary(p, K, w))(P)
    U_out = jnp.log(bary + EPS)
    return _ortho(U_out)

# --- scband reference (transcript-rebuilt; emitter-appended) ---
"""Pipeline reference for scband-bary-layer-41566693491079 (READ-ONLY COPY).

The authoritative reference and input builder live on the scoring server;
editing this copy changes nothing except your own understanding.
"""

import jax, jax.numpy as jnp
import numpy as np

N = 10000
DEG = 16
D = 128
REG = 0.1
ITERS = 3
EPS = 1e-30


def setup_inputs(seed: int = 0) -> dict:
    key = jax.random.key(seed)
    k1, k2 = jax.random.split(key)
    U = jax.random.normal(k1, (N, D), dtype=jnp.float32) * 0.1
    # cost matrix over a 1-D support grid (squared euclidean ground cost)
    pts = jnp.arange(D, dtype=jnp.float32) / D
    costMatrix = (pts[:, None] - pts[None, :]) ** 2
    neighbors = jax.random.randint(k2, (N, DEG), 0, N).astype(jnp.int64)
    return {"U": U, "costMatrix": costMatrix, "neighbors": neighbors}


def _normalize_features(x):
    # each row is a probability distribution over the D support points
    return x / (jnp.sum(x, axis=1, keepdims=True) + EPS)


def _barycenter(P, K, w):
    # P: [D, DEG] distributions as columns; K: [D, D] Gibbs kernel; w: [DEG] barycentric weights
    v = jnp.ones_like(P)
    b = jnp.ones((P.shape[0],), P.dtype) / P.shape[0]
    for _ in range(ITERS):
        Kv = K @ v
        u = P / (Kv + EPS)
        Ktu = K.T @ u
        b = jnp.exp(jnp.sum(w[None, :] * jnp.log(Ktu + EPS), axis=1))
        v = b[:, None] / (Ktu + EPS)
    return b


def _gram_schmidt_ortho(X):
    # Gram-Schmidt orthonormalization of the columns of X (== reduced QR with positive R diag)
    Q, R = jnp.linalg.qr(X)
    s = jnp.sign(jnp.diag(R))
    s = jnp.where(s == 0, 1.0, s)
    return Q * s[None, :]


def reference(U, costMatrix, neighbors):
    # Bary_layer.forward(U, costMatrix, ortho=True) with bary_weight='uniform'
    U_bar = jnp.exp(U)
    U_bar = _normalize_features(U_bar)
    K = jnp.exp(-costMatrix / REG)
    # Barycenter_update: gather each node's neighbor distributions, Wasserstein barycenter
    gathered = U_bar[neighbors]                 # [N, DEG, D]  (SparseCore gather)
    P = jnp.transpose(gathered, (0, 2, 1))      # [N, D, DEG]  distributions as columns
    w = jnp.ones((DEG,), jnp.float32) / DEG     # uniform barycentric weights (1/degree)
    bary = jax.vmap(lambda p: _barycenter(p, K, w))(P)   # [N, D]
    U_out = jnp.log(bary + EPS)
    U_out = _gram_schmidt_ortho(U_out)
    return U_out

if __name__ == "__main__":
    import jax
    _d = setup_inputs()
    print(jax.jit(kernel)(*tuple(_d.values())))

</pallas_src>

<mosaic_0001>
#map = affine_map<(d0, d1) -> (0, 0)>
#map1 = affine_map<(d0, d1) -> (0)>
module attributes {stable_mosaic.version = 14 : i64} {
  func.func @gather_kernel(%arg0: i32, %arg1: i32, %arg2: memref<10000x128xf32, #tpu.memory_space<hbm>>, %arg3: memref<160000xi32, #tpu.memory_space<hbm>>, %arg4: memref<160000x128xf32, #tpu.memory_space<hbm>>, %arg5: memref<5000xi32, #tpu.memory_space<vmem>>, %arg6: memref<200x128xf32, #tpu.memory_space<vmem>>, %arg7: memref<200x128xf32, #tpu.memory_space<vmem>>, %arg8: memref<!tpu.dma_semaphore, #tpu.memory_space<semaphore_mem>>, %arg9: memref<!tpu.dma_semaphore, #tpu.memory_space<semaphore_mem>>, %arg10: memref<!tpu.dma_semaphore, #tpu.memory_space<semaphore_mem>>, %arg11: memref<!tpu.dma_semaphore, #tpu.memory_space<semaphore_mem>>) attributes {dimension_semantics = [#tpu.dimension_semantics<core_parallel>, #tpu.dimension_semantics<subcore_parallel>], iteration_bounds = array<i64: 2, 16>, scalar_prefetch = 0 : i64, scratch_operands = 7 : i64, tpu.core_type = #tpu.core_type<sc_vector_subcore>, window_params = [{transform_indices = #map}, {transform_indices = #map1}, {transform_indices = #map}]} {
    %mul3A = arith.constant 2 : i32
    %mul3A_0 = arith.muli %arg1, %mul3A : i32
    %add3A = arith.addi %mul3A_0, %arg0 : i32
    %mul3A_1 = arith.constant 5000 : i32
    %mul3A_2 = arith.muli %add3A, %mul3A_1 : i32
    "tpu.region"() ({
      %run_scoped3A = tpu.sem_alloc : memref<!tpu.dma_semaphore, #tpu.memory_space<semaphore_mem>>
      %dma_start3A_65 = tpu.memref_slice %arg3[%mul3A_2] : memref<160000xi32, #tpu.memory_space<hbm>> -> memref<5000xi32, #tpu.memory_space<hbm>>
      %dma_start3A_66 = tpu.memref_slice %arg3[%mul3A_2] : memref<160000xi32, #tpu.memory_space<hbm>> -> memref<5000xi32, #tpu.memory_space<hbm>>
      tpu.enqueue_dma source(%dma_start3A_66 : memref<5000xi32, #tpu.memory_space<hbm>>) target(%arg5 : memref<5000xi32, #tpu.memory_space<vmem>>) target_semaphore(%run_scoped3A : memref<!tpu.dma_semaphore, #tpu.memory_space<semaphore_mem>>)
      %dma_wait3A_67 = tpu.memref_slice %arg3[%mul3A_2] : memref<160000xi32, #tpu.memory_space<hbm>> -> memref<5000xi32, #tpu.memory_space<hbm>>
      %dma_wait3A_68 = tpu.memref_slice %arg3[%mul3A_2] : memref<160000xi32, #tpu.memory_space<hbm>> -> memref<5000xi32, #tpu.memory_space<hbm>>
      tpu.wait_dma2 semaphore(%run_scoped3A : memref<!tpu.dma_semaphore, #tpu.memory_space<semaphore_mem>>) src(%dma_wait3A_68 : memref<5000xi32, #tpu.memory_space<hbm>>) dst(%arg5 : memref<5000xi32, #tpu.memory_space<vmem>>)
      tpu.yield
    }) : () -> ()
    %dma_start3A = arith.constant 0 : i32
    %dma_start3A_3 = tpu.memref_slice %arg5[%dma_start3A] : memref<5000xi32, #tpu.memory_space<vmem>> -> memref<200xi32, #tpu.memory_space<vmem>>
    %dma_start3A_4 = arith.constant 0 : i32
    %dma_start3A_5 = arith.constant 0 : i32
    %dma_start3A_6 = tpu.memref_slice %arg2[%dma_start3A_4, %dma_start3A_5] : memref<10000x128xf32, #tpu.memory_space<hbm>> -> memref<10000x128xf32, #tpu.memory_space<hbm>>
    tpu.enqueue_indirect_dma source(%dma_start3A_6 : memref<10000x128xf32, #tpu.memory_space<hbm>>) target(%arg6 : memref<200x128xf32, #tpu.memory_space<vmem>>) offsets(%dma_start3A_3 : memref<200xi32, #tpu.memory_space<vmem>>) semaphore(%arg8 : memref<!tpu.dma_semaphore, #tpu.memory_space<semaphore_mem>>)
    %dma_start3A_7 = arith.constant 200 : i32
    %dma_start3A_8 = tpu.memref_slice %arg5[%dma_start3A_7] : memref<5000xi32, #tpu.memory_space<vmem>> -> memref<200xi32, #tpu.memory_space<vmem>>
    %dma_start3A_9 = arith.constant 0 : i32
    %dma_start3A_10 = arith.constant 0 : i32
    %dma_start3A_11 = tpu.memref_slice %arg2[%dma_start3A_9, %dma_start3A_10] : memref<10000x128xf32, #tpu.memory_space<hbm>> -> memref<10000x128xf32, #tpu.memory_space<hbm>>
    tpu.enqueue_indirect_dma source(%dma_start3A_11 : memref<10000x128xf32, #tpu.memory_space<hbm>>) target(%arg7 : memref<200x128xf32, #tpu.memory_space<vmem>>) offsets(%dma_start3A_8 : memref<200xi32, #tpu.memory_space<vmem>>) semaphore(%arg9 : memref<!tpu.dma_semaphore, #tpu.memory_space<semaphore_mem>>)
    %scan3A = arith.constant 0 : i32
    %scan3A_12 = arith.constant 11 : i32
    %scan3A_13 = arith.addi %scan3A, %scan3A_12 : i32
    %scan3A_14 = arith.constant 1 : i32
    scf.for %scan3A_65 = %scan3A to %scan3A_13 step %scan3A_14  : i32 {
      %mul3A_66 = arith.constant 2 : i32
      %mul3A_67 = arith.muli %scan3A_65, %mul3A_66 : i32
      %add3A_68 = arith.constant 2 : i32
      %add3A_69 = arith.addi %add3A_68, %mul3A_67 : i32
      %dma_wait3A_70 = arith.constant 0 : i32
      %dma_wait3A_71 = tpu.memref_slice %arg5[%dma_wait3A_70] : memref<5000xi32, #tpu.memory_space<vmem>> -> memref<200xi32, #tpu.memory_space<vmem>>
      %dma_wait3A_72 = arith.constant 0 : i32
      %dma_wait3A_73 = arith.constant 0 : i32
      %dma_wait3A_74 = tpu.memref_slice %arg2[%dma_wait3A_72, %dma_wait3A_73] : memref<10000x128xf32, #tpu.memory_space<hbm>> -> memref<10000x128xf32, #tpu.memory_space<hbm>>
      tpu.wait_indirect_dma semaphore(%arg8 : memref<!tpu.dma_semaphore, #tpu.memory_space<semaphore_mem>>) src(%dma_wait3A_74 : memref<10000x128xf32, #tpu.memory_space<hbm>>) dst(%arg6 : memref<200x128xf32, #tpu.memory_space<vmem>>)
      %add3A_75 = arith.constant 0 : i32
      %add3A_76 = arith.addi %add3A_69, %add3A_75 : i32
      %sub3A = arith.constant 2 : i32
      %sub3A_77 = arith.subi %add3A_76, %sub3A : i32
      %mul3A_78 = arith.constant 200 : i32
      %mul3A_79 = arith.muli %sub3A_77, %mul3A_78 : i32
      %add3A_80 = arith.addi %mul3A_2, %mul3A_79 : i32
      %dma_start3A_81 = arith.constant 0 : i32
      %dma_start3A_82 = tpu.memref_slice %arg4[%add3A_80, %dma_start3A_81] : memref<160000x128xf32, #tpu.memory_space<hbm>> -> memref<200x128xf32, #tpu.memory_space<hbm>>
      %dma_start3A_83 = arith.constant 0 : i32
      %dma_start3A_84 = tpu.memref_slice %arg4[%add3A_80, %dma_start3A_83] : memref<160000x128xf32, #tpu.memory_space<hbm>> -> memref<200x128xf32, #tpu.memory_space<hbm>>
      tpu.enqueue_dma source(%arg6 : memref<200x128xf32, #tpu.memory_space<vmem>>) target(%dma_start3A_84 : memref<200x128xf32, #tpu.memory_space<hbm>>) target_semaphore(%arg10 : memref<!tpu.dma_semaphore, #tpu.memory_space<semaphore_mem>>)
      %dma_wait3A_85 = arith.constant 0 : i32
      %dma_wait3A_86 = tpu.memref_slice %arg4[%mul3A_2, %dma_wait3A_85] : memref<160000x128xf32, #tpu.memory_space<hbm>> -> memref<200x128xf32, #tpu.memory_space<hbm>>
      %dma_wait3A_87 = arith.constant 0 : i32
      %dma_wait3A_88 = tpu.memref_slice %arg4[%mul3A_2, %dma_wait3A_87] : memref<160000x128xf32, #tpu.memory_space<hbm>> -> memref<200x128xf32, #tpu.memory_space<hbm>>
      tpu.wait_dma2 semaphore(%arg10 : memref<!tpu.dma_semaphore, #tpu.memory_space<semaphore_mem>>) src(%arg6 : memref<200x128xf32, #tpu.memory_space<vmem>>) dst(%dma_wait3A_88 : memref<200x128xf32, #tpu.memory_space<hbm>>)
      %add3A_89 = arith.constant 0 : i32
      %add3A_90 = arith.addi %add3A_69, %add3A_89 : i32
      %mul3A_91 = arith.constant 200 : i32
      %mul3A_92 = arith.muli %add3A_90, %mul3A_91 : i32
      %dma_start3A_93 = tpu.memref_slice %arg5[%mul3A_92] : memref<5000xi32, #tpu.memory_space<vmem>> -> memref<200xi32, #tpu.memory_space<vmem>>
      %dma_start3A_94 = arith.constant 0 : i32
      %dma_start3A_95 = arith.constant 0 : i32
      %dma_start3A_96 = tpu.memref_slice %arg2[%dma_start3A_94, %dma_start3A_95] : memref<10000x128xf32, #tpu.memory_space<hbm>> -> memref<10000x128xf32, #tpu.memory_space<hbm>>
      tpu.enqueue_indirect_dma source(%dma_start3A_96 : memref<10000x128xf32, #tpu.memory_space<hbm>>) target(%arg6 : memref<200x128xf32, #tpu.memory_space<vmem>>) offsets(%dma_start3A_93 : memref<200xi32, #tpu.memory_space<vmem>>) semaphore(%arg8 : memref<!tpu.dma_semaphore, #tpu.memory_space<semaphore_mem>>)
      %dma_wait3A_97 = arith.constant 0 : i32
      %dma_wait3A_98 = tpu.memref_slice %arg5[%dma_wait3A_97] : memref<5000xi32, #tpu.memory_space<vmem>> -> memref<200xi32, #tpu.memory_space<vmem>>
      %dma_wait3A_99 = arith.constant 0 : i32
      %dma_wait3A_100 = arith.constant 0 : i32
      %dma_wait3A_101 = tpu.memref_slice %arg2[%dma_wait3A_99, %dma_wait3A_100] : memref<10000x128xf32, #tpu.memory_space<hbm>> -> memref<10000x128xf32, #tpu.memory_space<hbm>>
      tpu.wait_indirect_dma semaphore(%arg9 : memref<!tpu.dma_semaphore, #tpu.memory_space<semaphore_mem>>) src(%dma_wait3A_101 : memref<10000x128xf32, #tpu.memory_space<hbm>>) dst(%arg7 : memref<200x128xf32, #tpu.memory_space<vmem>>)
      %add3A_102 = arith.constant 1 : i32
      %add3A_103 = arith.addi %add3A_69, %add3A_102 : i32
      %sub3A_104 = arith.constant 2 : i32
      %sub3A_105 = arith.subi %add3A_103, %sub3A_104 : i32
      %mul3A_106 = arith.constant 200 : i32
      %mul3A_107 = arith.muli %sub3A_105, %mul3A_106 : i32
      %add3A_108 = arith.addi %mul3A_2, %mul3A_107 : i32
      %dma_start3A_109 = arith.constant 0 : i32
      %dma_start3A_110 = tpu.memref_slice %arg4[%add3A_108, %dma_start3A_109] : memref<160000x128xf32, #tpu.memory_space<hbm>> -> memref<200x128xf32, #tpu.memory_space<hbm>>
      %dma_start3A_111 = arith.constant 0 : i32
      %dma_start3A_112 = tpu.memref_slice %arg4[%add3A_108, %dma_start3A_111] : memref<160000x128xf32, #tpu.memory_space<hbm>> -> memref<200x128xf32, #tpu.memory_space<hbm>>
      tpu.enqueue_dma source(%arg7 : memref<200x128xf32, #tpu.memory_space<vmem>>) target(%dma_start3A_112 : memref<200x128xf32, #tpu.memory_space<hbm>>) target_semaphore(%arg11 : memref<!tpu.dma_semaphore, #tpu.memory_space<semaphore_mem>>)
      %dma_wait3A_113 = arith.constant 0 : i32
      %dma_wait3A_114 = tpu.memref_slice %arg4[%mul3A_2, %dma_wait3A_113] : memref<160000x128xf32, #tpu.memory_space<hbm>> -> memref<200x128xf32, #tpu.memory_space<hbm>>
      %dma_wait3A_115 = arith.constant 0 : i32
      %dma_wait3A_116 = tpu.memref_slice %arg4[%mul3A_2, %dma_wait3A_115] : memref<160000x128xf32, #tpu.memory_space<hbm>> -> memref<200x128xf32, #tpu.memory_space<hbm>>
      tpu.wait_dma2 semaphore(%arg11 : memref<!tpu.dma_semaphore, #tpu.memory_space<semaphore_mem>>) src(%arg7 : memref<200x128xf32, #tpu.memory_space<vmem>>) dst(%dma_wait3A_116 : memref<200x128xf32, #tpu.memory_space<hbm>>)
      %add3A_117 = arith.constant 1 : i32
      %add3A_118 = arith.addi %add3A_69, %add3A_117 : i32
      %mul3A_119 = arith.constant 200 : i32
      %mul3A_120 = arith.muli %add3A_118, %mul3A_119 : i32
      %dma_start3A_121 = tpu.memref_slice %arg5[%mul3A_120] : memref<5000xi32, #tpu.memory_space<vmem>> -> memref<200xi32, #tpu.memory_space<vmem>>
      %dma_start3A_122 = arith.constant 0 : i32
      %dma_start3A_123 = arith.constant 0 : i32
      %dma_start3A_124 = tpu.memref_slice %arg2[%dma_start3A_122, %dma_start3A_123] : memref<10000x128xf32, #tpu.memory_space<hbm>> -> memref<10000x128xf32, #tpu.memory_space<hbm>>
      tpu.enqueue_indirect_dma source(%dma_start3A_124 : memref<10000x128xf32, #tpu.memory_space<hbm>>) target(%arg7 : memref<200x128xf32, #tpu.memory_space<vmem>>) offsets(%dma_start3A_121 : memref<200xi32, #tpu.memory_space<vmem>>) semaphore(%arg9 : memref<!tpu.dma_semaphore, #tpu.memory_space<semaphore_mem>>)
    }
    %scan3A_15 = arith.constant 11 : i32
    %dma_wait3A = arith.constant 0 : i32
    %dma_wait3A_16 = tpu.memref_slice %arg5[%dma_wait3A] : memref<5000xi32, #tpu.memory_space<vmem>> -> memref<200xi32, #tpu.memory_space<vmem>>
    %dma_wait3A_17 = arith.constant 0 : i32
    %dma_wait3A_18 = arith.constant 0 : i32
    %dma_wait3A_19 = tpu.memref_slice %arg2[%dma_wait3A_17, %dma_wait3A_18] : memref<10000x128xf32, #tpu.memory_space<hbm>> -> memref<10000x128xf32, #tpu.memory_space<hbm>>
    tpu.wait_indirect_dma semaphore(%arg8 : memref<!tpu.dma_semaphore, #tpu.memory_space<semaphore_mem>>) src(%dma_wait3A_19 : memref<10000x128xf32, #tpu.memory_space<hbm>>) dst(%arg6 : memref<200x128xf32, #tpu.memory_space<vmem>>)
    %add3A_20 = arith.constant 4400 : i32
    %add3A_21 = arith.addi %mul3A_2, %add3A_20 : i32
    %dma_start3A_22 = arith.constant 0 : i32
    %dma_start3A_23 = tpu.memref_slice %arg4[%add3A_21, %dma_start3A_22] : memref<160000x128xf32, #tpu.memory_space<hbm>> -> memref<200x128xf32, #tpu.memory_space<hbm>>
    %dma_start3A_24 = arith.constant 0 : i32
    %dma_start3A_25 = tpu.memref_slice %arg4[%add3A_21, %dma_start3A_24] : memref<160000x128xf32, #tpu.memory_space<hbm>> -> memref<200x128xf32, #tpu.memory_space<hbm>>
    tpu.enqueue_dma source(%arg6 : memref<200x128xf32, #tpu.memory_space<vmem>>) target(%dma_start3A_25 : memref<200x128xf32, #tpu.memory_space<hbm>>) target_semaphore(%arg10 : memref<!tpu.dma_semaphore, #tpu.memory_space<semaphore_mem>>)
    %dma_wait3A_26 = arith.constant 0 : i32
    %dma_wait3A_27 = tpu.memref_slice %arg4[%mul3A_2, %dma_wait3A_26] : memref<160000x128xf32, #tpu.memory_space<hbm>> -> memref<200x128xf32, #tpu.memory_space<hbm>>
    %dma_wait3A_28 = arith.constant 0 : i32
    %dma_wait3A_29 = tpu.memref_slice %arg4[%mul3A_2, %dma_wait3A_28] : memref<160000x128xf32, #tpu.memory_space<hbm>> -> memref<200x128xf32, #tpu.memory_space<hbm>>
    tpu.wait_dma2 semaphore(%arg10 : memref<!tpu.dma_semaphore, #tpu.memory_space<semaphore_mem>>) src(%arg6 : memref<200x128xf32, #tpu.memory_space<vmem>>) dst(%dma_wait3A_29 : memref<200x128xf32, #tpu.memory_space<hbm>>)
    %dma_start3A_30 = arith.constant 4800 : i32
    %dma_start3A_31 = tpu.memref_slice %arg5[%dma_start3A_30] : memref<5000xi32, #tpu.memory_space<vmem>> -> memref<200xi32, #tpu.memory_space<vmem>>
    %dma_start3A_32 = arith.constant 0 : i32
    %dma_start3A_33 = arith.constant 0 : i32
    %dma_start3A_34 = tpu.memref_slice %arg2[%dma_start3A_32, %dma_start3A_33] : memref<10000x128xf32, #tpu.memory_space<hbm>> -> memref<10000x128xf32, #tpu.memory_space<hbm>>
    tpu.enqueue_indirect_dma source(%dma_start3A_34 : memref<10000x128xf32, #tpu.memory_space<hbm>>) target(%arg6 : memref<200x128xf32, #tpu.memory_space<vmem>>) offsets(%dma_start3A_31 : memref<200xi32, #tpu.memory_space<vmem>>) semaphore(%arg8 : memref<!tpu.dma_semaphore, #tpu.memory_space<semaphore_mem>>)
    %dma_wait3A_35 = arith.constant 0 : i32
    %dma_wait3A_36 = tpu.memref_slice %arg5[%dma_wait3A_35] : memref<5000xi32, #tpu.memory_space<vmem>> -> memref<200xi32, #tpu.memory_space<vmem>>
    %dma_wait3A_37 = arith.constant 0 : i32
    %dma_wait3A_38 = arith.constant 0 : i32
    %dma_wait3A_39 = tpu.memref_slice %arg2[%dma_wait3A_37, %dma_wait3A_38] : memref<10000x128xf32, #tpu.memory_space<hbm>> -> memref<10000x128xf32, #tpu.memory_space<hbm>>
    tpu.wait_indirect_dma semaphore(%arg9 : memref<!tpu.dma_semaphore, #tpu.memory_space<semaphore_mem>>) src(%dma_wait3A_39 : memref<10000x128xf32, #tpu.memory_space<hbm>>) dst(%arg7 : memref<200x128xf32, #tpu.memory_space<vmem>>)
    %add3A_40 = arith.constant 4600 : i32
    %add3A_41 = arith.addi %mul3A_2, %add3A_40 : i32
    %dma_start3A_42 = arith.constant 0 : i32
    %dma_start3A_43 = tpu.memref_slice %arg4[%add3A_41, %dma_start3A_42] : memref<160000x128xf32, #tpu.memory_space<hbm>> -> memref<200x128xf32, #tpu.memory_space<hbm>>
    %dma_start3A_44 = arith.constant 0 : i32
    %dma_start3A_45 = tpu.memref_slice %arg4[%add3A_41, %dma_start3A_44] : memref<160000x128xf32, #tpu.memory_space<hbm>> -> memref<200x128xf32, #tpu.memory_space<hbm>>
    tpu.enqueue_dma source(%arg7 : memref<200x128xf32, #tpu.memory_space<vmem>>) target(%dma_start3A_45 : memref<200x128xf32, #tpu.memory_space<hbm>>) target_semaphore(%arg11 : memref<!tpu.dma_semaphore, #tpu.memory_space<semaphore_mem>>)
    %dma_wait3A_46 = arith.constant 0 : i32
    %dma_wait3A_47 = tpu.memref_slice %arg5[%dma_wait3A_46] : memref<5000xi32, #tpu.memory_space<vmem>> -> memref<200xi32, #tpu.memory_space<vmem>>
    %dma_wait3A_48 = arith.constant 0 : i32
    %dma_wait3A_49 = arith.constant 0 : i32
    %dma_wait3A_50 = tpu.memref_slice %arg2[%dma_wait3A_48, %dma_wait3A_49] : memref<10000x128xf32, #tpu.memory_space<hbm>> -> memref<10000x128xf32, #tpu.memory_space<hbm>>
    tpu.wait_indirect_dma semaphore(%arg8 : memref<!tpu.dma_semaphore, #tpu.memory_space<semaphore_mem>>) src(%dma_wait3A_50 : memref<10000x128xf32, #tpu.memory_space<hbm>>) dst(%arg6 : memref<200x128xf32, #tpu.memory_space<vmem>>)
    %add3A_51 = arith.constant 4800 : i32
    %add3A_52 = arith.addi %mul3A_2, %add3A_51 : i32
    %dma_start3A_53 = arith.constant 0 : i32
    %dma_start3A_54 = tpu.memref_slice %arg4[%add3A_52, %dma_start3A_53] : memref<160000x128xf32, #tpu.memory_space<hbm>> -> memref<200x128xf32, #tpu.memory_space<hbm>>
    %dma_start3A_55 = arith.constant 0 : i32
    %dma_start3A_56 = tpu.memref_slice %arg4[%add3A_52, %dma_start3A_55] : memref<160000x128xf32, #tpu.memory_space<hbm>> -> memref<200x128xf32, #tpu.memory_space<hbm>>
    tpu.enqueue_dma source(%arg6 : memref<200x128xf32, #tpu.memory_space<vmem>>) target(%dma_start3A_56 : memref<200x128xf32, #tpu.memory_space<hbm>>) target_semaphore(%arg10 : memref<!tpu.dma_semaphore, #tpu.memory_space<semaphore_mem>>)
    %dma_wait3A_57 = arith.constant 0 : i32
    %dma_wait3A_58 = tpu.memref_slice %arg4[%mul3A_2, %dma_wait3A_57] : memref<160000x128xf32, #tpu.memory_space<hbm>> -> memref<200x128xf32, #tpu.memory_space<hbm>>
    %dma_wait3A_59 = arith.constant 0 : i32
    %dma_wait3A_60 = tpu.memref_slice %arg4[%mul3A_2, %dma_wait3A_59] : memref<160000x128xf32, #tpu.memory_space<hbm>> -> memref<200x128xf32, #tpu.memory_space<hbm>>
    tpu.wait_dma2 semaphore(%arg11 : memref<!tpu.dma_semaphore, #tpu.memory_space<semaphore_mem>>) src(%arg7 : memref<200x128xf32, #tpu.memory_space<vmem>>) dst(%dma_wait3A_60 : memref<200x128xf32, #tpu.memory_space<hbm>>)
    %dma_wait3A_61 = arith.constant 0 : i32
    %dma_wait3A_62 = tpu.memref_slice %arg4[%mul3A_2, %dma_wait3A_61] : memref<160000x128xf32, #tpu.memory_space<hbm>> -> memref<200x128xf32, #tpu.memory_space<hbm>>
    %dma_wait3A_63 = arith.constant 0 : i32
    %dma_wait3A_64 = tpu.memref_slice %arg4[%mul3A_2, %dma_wait3A_63] : memref<160000x128xf32, #tpu.memory_space<hbm>> -> memref<200x128xf32, #tpu.memory_space<hbm>>
    tpu.wait_dma2 semaphore(%arg10 : memref<!tpu.dma_semaphore, #tpu.memory_space<semaphore_mem>>) src(%arg6 : memref<200x128xf32, #tpu.memory_space<vmem>>) dst(%dma_wait3A_64 : memref<200x128xf32, #tpu.memory_space<hbm>>)
    return
  }
}

</mosaic_0001>

<sc_bundles>
// kernel: kernel.3.cloned.1.call-start
scs
__scs_entry_jumppad:
0x0: {  	(pc) =	sbr.rel $0x88, $3  }
0x1: {  	(tag) =	ssettag $0x0;
	lr =	simm.s32 $0x1  }
0x2: {  	[smem:$0x3F9E] =	sst lr;
	_ =	strace $0xD0000000  }
0x3: {  	_ = 	snop  }
0x4: {  	_ = 	snop  }
0x5: {  	_ = 	snop  }
0x6: {  	_ = 	snop  }
0x7: {  	_ = 	snop  }
__scs_overlays_trampoline_lowered:
0x8: {  	[smem:$0x3FAD] =	sst s0  }
0x9: {  	[smem:$0x3FAE] =	sst s1  }
0xa: {  	[smem:$0x3FAF] =	sst s2  }
0xb: {  	[smem:$0x3FB0] =	sst s3  }
0xc: {  	[smem:$0x3FB1] =	sst s4  }
0xd: {  	[smem:$0x3FB2] =	sst s5  }
0xe: {  	[smem:$0x3FB3] =	sst s6  }
0xf: {  	[smem:$0x3FB4] =	sst s7  }
0x10: {  	[smem:$0x3FB5] =	sst s8  }
0x11: {  	[smem:$0x3FB6] =	sst s9;
	s0 =	simm.s32 @!p0 $0x0  }
0x12: {  	s1 =	sld [smem:$0x3F9C];
	s0 =	simm.s32 @p0 $0x1  }
0x13: {  	[smem:$0x3FB7] =	sst s0;
	s0 =	simm.s32 @!p1 $0x0  }
0x14: {  	s2 =	sld [smem:$0x3F9B];
	s0 =	simm.s32 @p1 $0x1  }
0x15: {  	[smem:$0x3FB8] =	sst s0;
	s0 =	simm.s32 @!p2 $0x0  }
0x16: {  	s3 =	sld [smem:$0x3FDB];
	s0 =	simm.s32 @p2 $0x1  }
0x17: {  	s4 =	simm.s32 $0x1BF5;
	[smem:$0x3FBA] =	sst s0  }
0x18: {  	s0 =	sld [smem:$0x3F9D];
	_ =	swait.ge [sflag:s4], $0x0  }
0x19: {  	s7 =	sld [smem:$0x3F9E]  }
0x1a: {  	s8 =	sadd.s32 $0xFFFFE003, lr  }
0x1b: {  	s9 =	sadd.s32 $0xFFFFFEF7, lr;
	s5 =	simm.s32 $0xFFFFFFFF;
	p2 =	slt.u32 s8, $0xFFFFF086  }
0x1c: {  	p1 =	slt.u32 s9, $0xF7A;
	s5 =	simm.s32 @!p2 $0x0  }
0x1d: {  	s5 =	simm.s32 @p1 $0x1;
	p0 =	seq.s32 s7, s2  }
0x1e: {  	s7 =	smul.u32 @!p0 $0xF7A, s2;
	p2 =	seq.s32 @!p0 s5, $0x0  }
0x1f: {  	s9 =	smul.u32 $0xF7A, s1;
	s8 =	simm.s32 @!p0 $0x1BF5;
	p2 =	por !p2, p0  }
0x20: {  	[sflag:s8] =	ssyncset.s32 @!p0 $0xFFFFF086;
	s6 =	sadd.s32 @!p0 s3, s7;
	s7 =	simm.s32 @!p0 $0x108  }
0x21: {  	s3 =	sadd.s32 s3, s9;
	s6 =	sadd.s32 @!p0 $0x88, s6;
	s7 =	simm.s32 @p2 $0x1082  }
0x22: {  	[simem:s7], [sflag:s8] =	dma.local @!p0 [hbm:s6], $0xF7A  }
0x23: {  	s9 =	sor.u32 $0xD0000000, s2;
	s6 =	simm.s32 $0x108;
	_ =	swait.ge @!p0 [sflag:s8], $0x0  }
0x24: {  	s3 =	sadd.s32 $0x88, s3;
	s6 =	simm.s32 @!p1 $0x1082;
	[sflag:s4] =	ssyncset.s32 $0xFFFFF086  }
0x25: {  	[simem:s6], [sflag:s4] =	dma.local [hbm:s3], $0xF7A  }
0x26: {  	[smem:$0x3F9E] =	sst s1;
	(tag) =	ssettag s2;
	_ =	strace s9  }
0x27: {  	s1 =	sld [smem:$0x3FAE]  }
0x28: {  	s2 =	sld [smem:$0x3FAF]  }
0x29: {  	s4 =	sld [smem:$0x3FB1]  }
0x2a: {  	p0 =	seq.s32 s5, $0x0;
	s5 =	sld [smem:$0x3FB2]  }
0x2b: {  	s6 =	sld [smem:$0x3FB3]  }
0x2c: {  	s7 =	sld [smem:$0x3FB4]  }
0x2d: {  	s3 =	simm.s32 $0x108;
	s8 =	sld [smem:$0x3FB5]  }
0x2e: {  	s3 =	simm.s32 @!p0 $0x1082;
	s9 =	sld [smem:$0x3FB6]  }
0x2f: {  	lr =	sadd.s32 s0, s3;
	s0 =	sld [smem:$0x3FAD]  }
0x30: {  	s3 =	sld [smem:$0x3FB0]  }
0x31: {  	[smem:$0x3FB9] =	sst s10  }
0x32: {  	s10 =	sld [smem:$0x3FB7];
	_ =	sdelay $0x3  }
0x33: {  	p0 =	seq.s32 s10, $0x1;
	s10 =	sld [smem:$0x3FB9];
	_ =	sdelay $0x3  }
0x34: {  	[smem:$0x3FB9] =	sst s10  }
0x35: {  	s10 =	sld [smem:$0x3FB8];
	_ =	sdelay $0x3  }
0x36: {  	p1 =	seq.s32 s10, $0x1;
	s10 =	sld [smem:$0x3FB9];
	_ =	sdelay $0x3  }
0x37: {  	[smem:$0x3FB9] =	sst s10  }
0x38: {  	s10 =	sld [smem:$0x3FBA]  }
0x39: {  	_ = 	snop;
	(pc) =	sbr.ind lr, $3  }
0x3a: {  	_ = 	snop  }
0x3b: {  	_ = 	snop  }
0x3c: {  	p2 =	seq.s32 s10, $0x1;
	s10 =	sld [smem:$0x3FB9]  }
0x3d: {  	_ =	shalt  }
0x3e: {  	_ =	shalt  }
0x3f: {  	_ =	shalt  }
0x40: {  	_ =	shalt  }
0x41: {  	_ =	shalt  }
0x42: {  	_ =	shalt  }
0x43: {  	_ =	shalt  }
0x44: {  	_ =	shalt  }
0x45: {  	_ =	shalt  }
0x46: {  	_ =	shalt  }
0x47: {  	_ =	shalt  }
0x48: {  	_ =	shalt  }
0x49: {  	_ =	shalt  }
0x4a: {  	_ =	shalt  }
0x4b: {  	_ =	shalt  }
0x4c: {  	_ =	shalt  }
0x4d: {  	_ =	shalt  }
0x4e: {  	_ =	shalt  }
0x4f: {  	_ =	shalt  }
0x50: {  	_ =	shalt  }
0x51: {  	_ =	shalt  }
0x52: {  	_ =	shalt  }
0x53: {  	_ =	shalt  }
0x54: {  	_ =	shalt  }
0x55: {  	_ =	shalt  }
0x56: {  	_ =	shalt  }
0x57: {  	_ =	shalt  }
0x58: {  	_ =	shalt  }
0x59: {  	_ =	shalt  }
0x5a: {  	_ =	shalt  }
0x5b: {  	_ =	shalt  }
0x5c: {  	_ =	shalt  }
0x5d: {  	_ =	shalt  }
0x5e: {  	_ =	shalt  }
0x5f: {  	_ =	shalt  }
0x60: {  	_ =	shalt  }
0x61: {  	_ =	shalt  }
0x62: {  	_ =	shalt  }
0x63: {  	_ =	shalt  }
0x64: {  	_ =	shalt  }
0x65: {  	_ =	shalt  }
0x66: {  	_ =	shalt  }
0x67: {  	_ =	shalt  }
0x68: {  	_ =	shalt  }
0x69: {  	_ =	shalt  }
0x6a: {  	_ =	shalt  }
0x6b: {  	_ =	shalt  }
0x6c: {  	_ =	shalt  }
0x6d: {  	_ =	shalt  }
0x6e: {  	_ =	shalt  }
0x6f: {  	_ =	shalt  }
0x70: {  	_ =	shalt  }
0x71: {  	_ =	shalt  }
0x72: {  	_ =	shalt  }
0x73: {  	_ =	shalt  }
0x74: {  	_ =	shalt  }
0x75: {  	_ =	shalt  }
0x76: {  	_ =	shalt  }
0x77: {  	_ =	shalt  }
0x78: {  	_ =	shalt  }
0x79: {  	_ =	shalt  }
0x7a: {  	_ =	shalt  }
0x7b: {  	_ =	shalt  }
0x7c: {  	_ =	shalt  }
0x7d: {  	_ =	shalt  }
0x7e: {  	_ =	shalt  }
0x7f: {  	_ =	shalt  }
0x80: {  	_ =	shalt  }
0x81: {  	_ =	shalt  }
0x82: {  	_ =	shalt  }
0x83: {  	_ =	shalt  }
0x84: {  	_ =	shalt  }
0x85: {  	_ =	shalt  }
0x86: {  	_ =	shalt  }
0x87: {  	_ =	shalt  }
.Lfunc_end0:
.L_simem_size_0:
called_computation_lowered:
.L_overlay_start_0:
0x88: {  	s2 =	sld [smem:$0x3FD9]  }
0x89: {  	s3 =	sld [smem:$0x3FFE];
	_ =	sdelay $0x1  }
0x8a: {  	s1 =	srdreg.scid  }
0x8b: {  	s0 =	sand.u32 $0x1, s1  }
0x8c: {  	s17 =	sshll.u32 s0, $0xA;
	s2 =	sadd.s32 s3, s2  }
0x8d: {  	s2 =	sadd.s32 s2, s17  }
0x8e: {  	[smem:$0x3FC5] =	sst s2  }
0x8f: {  	_ = 	snop  }
0x90: {  	s2 =	sld [smem:$0x3FD0];
	(tm) =	ssettm $0x1  }
0x91: {  	s18 =	sld [smem:$0x3FFB];
	_ =	sdelay $0x3  }
0x92: {  	_ =	strace s18  }
0x93: {  	s3 =	sld [smem:$0x3FFC];
	_ =	sdelay $0x3  }
0x94: {  	_ =	strace s3  }
0x95: {  	s3 =	sld [smem:$0x3FFD];
	_ =	sdelay $0x3  }
0x96: {  	_ =	strace s3  }
0x97: {  	_ =	strace $0x8FFFFFFF  }
0x98: {  	s19 =	sld [smem:$0x3FDB];
	_ =	sdelay $0x1  }
0x99: {  	s4 =	simm.s32 $_scs_section_size  }
0x9a: {  	s5 =	simm.s32 $_size__tile_overlayer_lowered;
	s6 =	simm.s32 $_tile_overlayer_lowered  }
0x9b: {  	s22 =	simm.s32 $0x1BFF;
	s21 =	sshll.u32 s6, $0x1;
	s3 =	sadd.s32 s4, s19  }
0x9c: {  	s7 =	simm.s32 $0x0;
	s20 =	sshll.u32 s5, $0x1;
	s5 =	sadd.s32 s21, s3  }
0x9d: {  	[timem:s7], [sflag:s22] =	dma.local [hbm:s5], s20  }
0x9e: {  	_ =	swait.ge [sflag:s22], s20  }
0x9f: {  	s4 =	ssub.s32 $0x0, s20;
	[sflag:s22] =	ssyncset.done $0x0  }
0xa0: {  	[sflag:s22] =	ssyncadd.s32 s4;
	_ =	sdelay $0x1  }
0xa1: {  	s23 =	simm.s32 $0x1B8B  }
0xa2: {  	_ =	swait.ge [sflag:s23], $0x1  }
0xa3: {  	[sflag:s23] =	ssyncset.done $0x0  }
0xa4: {  	s25 =	simm.s32 $0x1B8E;
	s24 =	sld [smem:$0x3FFE];
	[sflag:s23] =	ssyncadd.s32 $0xFFFFFFFF  }
0xa5: {  	s26 =	simm.s32 $execute0_lowered;
	[smem:$0x3FD2] =	sst s25  }
0xa6: {  	s5 =	sshll.u32 s26, $0x1;
	_ =	strace $0x80000046;
	[dreg:$0x1] =	wrdreg $0xFFFFFFFF  }
0xa7: {  	s28 =	simm.s32 $_size_execute0_lowered;
	s3 =	sadd.s32 s3, s5;
	[dreg:$0x0] =	wrdreg $0x0  }
0xa8: {  	s5 =	sshll.u32 s28, $0x1;
	[dreg:$0x2] =	wrdreg s3  }
0xa9: {  	[dreg:$0x3] =	wrdreg s5  }
0xaa: {  	[dreg:$0x4] =	wrdreg $0xC0  }
0xab: {  	_ =	task [dreg:s7], $0x5FFFF  }
0xac: {  	[dreg:$0x1] =	wrdreg $0xFFFFFFFF  }
0xad: {  	[dreg:$0x0] =	wrdreg $0x60  }
0xae: {  	[dreg:$0x2] =	wrdreg s2  }
0xaf: {  	[dreg:$0x3] =	wrdreg s24  }
0xb0: {  	[dreg:$0x4] =	wrdreg $0x9  }
0xb1: {  	_ =	task.clear_ibuf [dreg:s7], $0x5FFFF;
	_ =	strace $0x90000046  }
0xb2: {  	s29 =	simm.s32 $0x9;
	_ =	strace $0x80000048  }
0xb3: {  	_ =	swait.ge [sflag:s29], $0x1  }
0xb4: {  	[sflag:s29] =	ssyncadd.s32 $0xFFFFFFFF  }
0xb5: {  	_ =	strace $0x90000048  }
0xb6: {  	_ =	sfence  }
0xb7: {  	s30 =	sld [smem:$0x0];
	_ =	sdelay $0x2  }
0xb8: {  	s31 =	sshll.u32 s1, $0xD;
	s1 =	sshrl.u32 s1, $0x2  }
0xb9: {  	s3 =	sand.u32 $0x4000, s31;
	s1 =	sadd.s32 s1, s30  }
0xba: {  	s0 =	sor.u32 s3, s0;
	s1 =	sshll.u32 s1, $0x11  }
0xbb: {  	s0 =	sor.u32 s1, s0  }
0xbc: {  	s0 =	sadd.s32 $0x8F2B, s0  }
0xbd: {  	[sflag:s0] =	ssyncadd.remote.s32 $0x1  }
0xbe: {  	_ =	sfence.sel $0xFFFF  }
0xbf: {  	[dreg:$0x0] =	wrdreg $0xFFFFFFFF;
	(pc) =	sbr.abs _section_cstart, $3  }
0xc0: {  	[dreg:$0x1] =	wrdreg $0xFFFFFFFF  }
0xc1: {  	_ =	task.clear_ibuf [dreg:s7], $0x2FFFF;
	_ =	strace $0x9FFFFFFF  }
0xc2: {  	(tm) =	ssettm $0x7FFFFFFF  }
0xc3: {  	_ =	shalt  }
tec
execute0_lowered:
.L_overlay_start_1:
0x0: {  	(tag) =	ssettag $0x1  }
0x1: {  	s2 =	rddreg [dreg:$0x0]  }
0x2: {  	s1 =	srdreg.scid;
	s0 =	stileid.u32  }
0x3: {  	s4 =	rddreg [dreg:$0x1];
	s3 =	simm.s32 $0x0;
	s12 =	simm.s32 $0x1400  }
0x4: {  	s13 =	simm.s32 $0x7800;
	s14 =	simm.s32 $0x1;
	s15 =	simm.s32 $0x3  }
0x5: {  	s16 =	simm.s32 $0x2;
	s17 =	simm.s32 $0x4;
	s18 =	simm.s32 $0x12C0  }
0x6: {  	s19 =	simm.s32 $0x0;
	s6 =	sand.u32 $0x1, s1;
	s5 =	sshll.u32 s0, $0x1  }
0x7: {  	s1 =	rddreg [dreg:$0x2];
	s31 =	smul.u32 $0x27100, s0;
	s5 =	sor.u32 s6, s5  }
0x8: {  	[smem:$0x7FF] =	sst s3;
	s7 =	ssub.s32 $0x2, s6;
	s8 =	smul.u32 $0x9C400, s5  }
0x9: {  	s10 =	sadd.s32 $0x5000, s4;
	s9 =	sshrl.u32 s7, $0x1;
	s5 =	smul.u32 $0x1388, s5  }
0xa: {  	_ =	strace $0x80000047;
	s11 =	smul.u32 $0x13880, s6;
	s9 =	ssub.s32 s7, s9  }
0xb: {  	s30 =	sshrl.u32 s8, $0x3;
	s5 =	sshrl.u32 s5, $0x3;
	s8 =	smax.u32 s9, $0x1  }
0xc: {  	s7 =	sadd.s32 s10, s30;
	s4 =	sadd.s32 s4, s5;
	s10 =	sadd.s32 s31, s10  }
0xd: {  	s5 =	sadd.s32 $0x11300, s7;
	s6 =	sadd.s32 $0x11F80, s7;
	s7 =	sadd.s32 $0x12C00, s7  }
0xe: {  	s9 =	sadd.s32 s11, s10;
	s10 =	simm.s32 $0x5;
	s11 =	simm.s32 $0xC8  }
.LBB2_1:
0xf: {  	[tilespmem:s3], [sflag:$0x5] =	stream.linear.gather [hbm4b:s4+s3], $0x1388, $0x38;
	[tilespmem:$0xDC00] =	vst v63  }
0x10: {  	_ =	swait.ge [sflag:s10], $0x1388  }
0x11: {  	[sflag:s10] =	ssyncset.done $0x0  }
0x12: {  	[sflag:s10] =	ssyncadd.s32 $0xFFFFEC78  }
0x13: {  	[tilespmem:s12], [sflag:$0x1] =	stream.indirect.gather [hbm4b:s2+s11], $0x80, s3, s11, $0xb8;
	[tilespmem:$0xDC00] =	vst v63  }
0x14: {  	_ = 	snop  }
0x15: {  	[tilespmem:s13], [sflag:$0x2] =	stream.indirect.gather [hbm4b:s2+s11], $0x80, s11, s11, $0xb8;
	[tilespmem:$0xDC00] =	vst v63  }
0x16: {  	_ =	swait.ge [sflag:s14], $0x6400  }
0x17: {  	[sflag:s14] =	ssyncset.done $0x0  }
0x18: {  	s20 =	sadd.s32 $0x0, s9;
	[sflag:s14] =	ssyncadd.s32 $0xFFFF9C00  }
0x19: {  	[hbm4b:s20+s3] =	stream.linear.scatter [tilespmem:s12], [sflag:$0x3], $0x6400, $0x38;
	[tilespmem:$0xDC00] =	vst v63  }
0x1a: {  	_ =	swait.ge [sflag:s15], $0x6400  }
0x1b: {  	[sflag:s15] =	ssyncset.done $0x0  }
0x1c: {  	s21 =	simm.s32 $0x190;
	[sflag:s15] =	ssyncadd.s32 $0xFFFF9C00  }
0x1d: {  	[tilespmem:s12], [sflag:$0x1] =	stream.indirect.gather [hbm4b:s2+s11], $0x80, s21, s11, $0xb8;
	[tilespmem:$0xDC00] =	vst v63  }
0x1e: {  	_ =	swait.ge [sflag:s16], $0x6400  }
0x1f: {  	[sflag:s16] =	ssyncset.done $0x0  }
0x20: {  	s20 =	sadd.s32 $0xC80, s20;
	[sflag:s16] =	ssyncadd.s32 $0xFFFF9C00  }
0x21: {  	[hbm4b:s20+s3] =	stream.linear.scatter [tilespmem:s13], [sflag:$0x4], $0x6400, $0x38;
	[tilespmem:$0xDC00] =	vst v63  }
0x22: {  	_ =	swait.ge [sflag:s17], $0x6400  }
0x23: {  	s22 =	simm.s32 $0x3E8;
	[sflag:s17] =	ssyncset.done $0x0  }
0x24: {  	s21 =	simm.s32 $0x1900;
	s20 =	simm.s32 $0x258;
	[sflag:s17] =	ssyncadd.s32 $0xFFFF9C00  }
.LBB2_2:
0x25: {  	[tilespmem:s13], [sflag:$0x2] =	stream.indirect.gather [hbm4b:s2+s11], $0x80, s20, s11, $0xb8;
	[tilespmem:$0xDC00] =	vst v63  }
0x26: {  	s23 =	smov.u32 s21;
	s20 =	smov.u32 s22  }
0x27: {  	p0 =	sne.s32 s21, $0xFA00;
	s21 =	sadd.s32 $0x1900, s21;
	_ =	swait.ge [sflag:s14], $0x6400  }
0x28: {  	[sflag:s14] =	ssyncset.done $0x0  }
0x29: {  	s23 =	sadd.s32 s23, s9;
	[sflag:s14] =	ssyncadd.s32 $0xFFFF9C00  }
0x2a: {  	[hbm4b:s23+s3] =	stream.linear.scatter [tilespmem:s12], [sflag:$0x3], $0x6400, $0x38;
	[tilespmem:$0xDC00] =	vst v63  }
0x2b: {  	_ =	swait.ge [sflag:s15], $0x6400  }
0x2c: {  	[sflag:s15] =	ssyncset.done $0x0  }
0x2d: {  	s24 =	sadd.s32 $0xFFFFFF38, s22;
	[sflag:s15] =	ssyncadd.s32 $0xFFFF9C00  }
0x2e: {  	[tilespmem:s12], [sflag:$0x1] =	stream.indirect.gather [hbm4b:s2+s11], $0x80, s24, s11, $0xb8;
	[tilespmem:$0xDC00] =	vst v63  }
0x2f: {  	_ =	swait.ge [sflag:s16], $0x6400  }
0x30: {  	[sflag:s16] =	ssyncset.done $0x0  }
.Ltmp0:
0x31: {  	s23 =	sadd.s32 $0xC80, s23;
	[sflag:s16] =	ssyncadd.s32 $0xFFFF9C00;
	(pc) =	sbr.rel @p0 .LBB2_2-.Ltmp0, $4  }
0x32: {  	[hbm4b:s23+s3] =	stream.linear.scatter [tilespmem:s13], [sflag:$0x4], $0x6400, $0x38;
	[tilespmem:$0xDC00] =	vst v63  }
0x33: {  	_ =	swait.ge [sflag:s17], $0x6400  }
0x34: {  	[sflag:s17] =	ssyncset.done $0x0  }
0x35: {  	s22 =	sadd.s32 $0x190, s22;
	[sflag:s17] =	ssyncadd.s32 $0xFFFF9C00  }
0x36: {  	[tilespmem:s13], [sflag:$0x2] =	stream.indirect.gather [hbm4b:s2+s11], $0x80, s20, s11, $0xb8;
	[tilespmem:$0xDC00] =	vst v63  }
0x37: {  	_ =	swait.ge [sflag:s14], $0x6400  }
0x38: {  	[sflag:s14] =	ssyncset.done $0x0  }
0x39: {  	[sflag:s14] =	ssyncadd.s32 $0xFFFF9C00  }
0x3a: {  	[hbm4b:s5+s3] =	stream.linear.scatter [tilespmem:s12], [sflag:$0x3], $0x6400, $0x38;
	[tilespmem:$0xDC00] =	vst v63  }
0x3b: {  	_ =	swait.ge [sflag:s15], $0x6400  }
0x3c: {  	[sflag:s15] =	ssyncset.done $0x0  }
0x3d: {  	[sflag:s15] =	ssyncadd.s32 $0xFFFF9C00  }
0x3e: {  	[tilespmem:s12], [sflag:$0x1] =	stream.indirect.gather [hbm4b:s2+s11], $0x80, s18, s11, $0xb8;
	[tilespmem:$0xDC00] =	vst v63  }
0x3f: {  	_ =	swait.ge [sflag:s16], $0x6400  }
0x40: {  	[sflag:s16] =	ssyncset.done $0x0  }
0x41: {  	[sflag:s16] =	ssyncadd.s32 $0xFFFF9C00  }
0x42: {  	[hbm4b:s6+s3] =	stream.linear.scatter [tilespmem:s13], [sflag:$0x4], $0x6400, $0x38;
	[tilespmem:$0xDC00] =	vst v63  }
0x43: {  	_ =	swait.ge [sflag:s14], $0x6400  }
0x44: {  	[sflag:s14] =	ssyncset.done $0x0  }
0x45: {  	s19 =	sadd.s32 $0x1, s19;
	[sflag:s14] =	ssyncadd.s32 $0xFFFF9C00  }
0x46: {  	[hbm4b:s7+s3] =	stream.linear.scatter [tilespmem:s12], [sflag:$0x3], $0x6400, $0x38;
	[tilespmem:$0xDC00] =	vst v63  }
0x47: {  	p0 =	sne.s32 s19, s8;
	_ =	swait.ge [sflag:s17], $0x6400  }
.Ltmp1:
0x48: {  	[sflag:s17] =	ssyncset.done $0x0;
	(pc) =	sbr.rel @p0 .LBB2_1-.Ltmp1, $4  }
0x49: {  	[sflag:s17] =	ssyncadd.s32 $0xFFFF9C00  }
0x4a: {  	_ =	swait.ge [sflag:s15], $0x6400  }
0x4b: {  	[sflag:s15] =	ssyncset.done $0x0  }
0x4c: {  	[sflag:s15] =	ssyncadd.s32 $0xFFFF9C00  }
0x4d: {  	_ =	sfence.sel $0x180000  }
0x4e: {  	[bflag:$0x0] =	sbarrier.arrive $0xFFFF  }
0x4f: {  	p0 =	sne.s32 s0, $0x0;
	_ =	strace $0x90000047  }
0x50: {  	s0 =	sadd.s32 @!p0 $0x100000, s1;
	[bflag:$0x2] =	sbarrier.arrive $0xFFFF  }
0x51: {  	[sflag:s0] =	ssyncadd.tile.s32 @!p0 $0x1;
	_ =	shalt  }
.Lfunc_end2:
_tile_overlayer_lowered:
.L_overlay_start_2:
0x52: {  	(tag) =	ssettag $0x2  }
0x53: {  	s0 =	rddreg [dreg:$0x0];
	s2 =	stileid.u32  }
0x54: {  	s1 =	rddreg [dreg:$0x1];
	p0 =	sne.s32 s2, $0x0  }
0x55: {  	s3 =	rddreg [dreg:$0x2];
	[bflag:$0x3] =	sbarrier.arrive $0xFFFF;
	s2 =	simm.s32 @!p0 $0x1C05  }
0x56: {  	[timem:s3], [sflag:s2] =	dma.local @!p0 [hbm:s0], s1  }
0x57: {  	s0 =	simm.s32 @!p0 $0x5  }
0x58: {  	_ =	swait.ge @!p0 [sflag:s0], s1  }
0x59: {  	s1 =	ssub.s32 @!p0 $0x0, s1;
	[sflag:s0] =	ssyncset.done @!p0 $0x0  }
0x5a: {  	[sflag:s0] =	ssyncadd.s32 @!p0 s1  }
0x5b: {  	[bflag:$0x3] =	sbarrier.arrive $0xFFFF  }
0x5c: {  	_ =	shalt  }

</sc_bundles>
